<compile_context>
chip_gen: v7x
topology: tpu7x:2x2x1
jax: 0.10.2.dev20260603
libtpu: 0.0.44.dev20260713+nightly
codegen_flags: <defaults>
</compile_context>

<pallas_src>
import functools

import jax
import jax.numpy as jnp
from jax import lax
from jax.experimental import pallas as pl
from jax.experimental.pallas import tpu as pltpu
from jax.experimental.pallas import tpu_sc as plsc

N = 10000
NP = 10240
E = 320000
NC = 2
NS = 16
NW = NC * NS
K = 50
CH = E // (NW * K)
RP = NP // NS
RB = 1000
NB = N // RB

_MESH = plsc.VectorSubcoreMesh(core_axis_name="c", subcore_axis_name="s")
_SC_PARAMS = pltpu.CompilerParams(use_tc_tiling_on_sc=False)
_SC_VPARAMS = pltpu.CompilerParams(use_tc_tiling_on_sc=False, needs_layout_passes=False)


@functools.partial(jax.jit, static_argnums=(3, 4))
def _spmm(y, e3, zeros, NFC, FC):

    @functools.partial(
        pl.kernel,
        out_type=jax.ShapeDtypeStruct((NC, NFC, NP, FC), jnp.float32),
        mesh=_MESH,
        scratch_types=[
            pltpu.VMEM((CH, K), jnp.int32),
            pltpu.VMEM((CH, K), jnp.int32),
            pltpu.VMEM((K, FC), jnp.float32),
            pltpu.VMEM((K, FC), jnp.float32),
            pltpu.VMEM((K, FC), jnp.float32),
            pltpu.VMEM((K, FC), jnp.float32),
            pltpu.VMEM_SHARED((NP, FC), jnp.float32),
            pltpu.SemaphoreType.DMA,
            pltpu.SemaphoreType.DMA,
            pltpu.SemaphoreType.DMA,
            pltpu.SemaphoreType.DMA,
            pltpu.SemaphoreType.DMA,
            pltpu.SemaphoreType.DMA,
            pltpu.SemaphoreType.DMA,
            pltpu.SemaphoreType.DMA,
        ],
        compiler_params=_SC_PARAMS,
    )
    def spmm(y_hbm, e3_hbm, zeros_hbm, out_hbm, src_v, dst_v, r0, r1, r2, r3, zsh,
             sg0, sg1, sg2, sg3, ss0, ss1, ss2, ss3):
        c = lax.axis_index("c")
        s = lax.axis_index("s")
        w = s * NC + c
        bufs = [r0, r1, r2, r3]
        sgs = [sg0, sg1, sg2, sg3]
        sss = [ss0, ss1, ss2, ss3]
        pltpu.sync_copy(e3_hbm.at[0].at[pl.ds(w * CH, CH)], src_v)
        pltpu.sync_copy(e3_hbm.at[1].at[pl.ds(w * CH, CH)], dst_v)
        for f in range(NFC):
            yf = y_hbm.at[f]

            def gissue(j, l):
                pltpu.async_copy(yf.at[src_v.at[j]], bufs[l], sgs[l])

            def gwait(j, l):
                pltpu.make_async_copy(yf.at[src_v.at[j]], bufs[l], sgs[l]).wait()

            def sissue(j, l):
                pltpu.async_copy(bufs[l], zsh.at[dst_v.at[j]], sss[l], add=True)

            def swait(j, l):
                pltpu.make_async_copy(bufs[l], zsh.at[dst_v.at[j]], sss[l]).wait()

            pltpu.sync_copy(zeros_hbm.at[pl.ds(s * RP, RP)], zsh.at[pl.ds(s * RP, RP)])
            gissue(0, 0)
            gissue(1, 1)
            plsc.subcore_barrier()
            gwait(0, 0)
            sissue(0, 0)
            gissue(2, 2)
            gwait(1, 1)
            sissue(1, 1)
            gissue(3, 3)

            def step(jj, carry):
                jb = jj * 4 + 2
                for dl in range(4):
                    jc = jb + dl
                    l = (2 + dl) % 4
                    lp = dl % 4
                    gwait(jc, l)
                    sissue(jc, l)
                    swait(jc - 2, lp)
                    gissue(jc + 2, lp)
                return carry

            lax.fori_loop(0, (CH - 4) // 4, step, 0)
            gwait(CH - 2, 2)
            sissue(CH - 2, 2)
            gwait(CH - 1, 3)
            sissue(CH - 1, 3)
            swait(CH - 4, 0)
            swait(CH - 3, 1)
            swait(CH - 2, 2)
            swait(CH - 1, 3)
            plsc.subcore_barrier()
            pltpu.sync_copy(zsh.at[pl.ds(s * RP, RP)],
                            out_hbm.at[c].at[f].at[pl.ds(s * RP, RP)])

    return spmm(y, e3, zeros)


@jax.jit
def _deg(e3, ones, zeros):

    @functools.partial(
        pl.kernel,
        out_type=jax.ShapeDtypeStruct((NC, NP, 8), jnp.float32),
        mesh=_MESH,
        scratch_types=[
            pltpu.VMEM((CH, K), jnp.int32),
            pltpu.VMEM((K, 8), jnp.float32),
            pltpu.VMEM_SHARED((NP, 8), jnp.float32),
        ],
        compiler_params=_SC_PARAMS,
    )
    def deg(e3_hbm, ones_hbm, zeros_hbm, out_hbm, dst_v, ones_v, zsh):
        c = lax.axis_index("c")
        s = lax.axis_index("s")
        w = s * NC + c
        pltpu.sync_copy(e3_hbm.at[1].at[pl.ds(w * CH, CH)], dst_v)
        pltpu.sync_copy(ones_hbm, ones_v)
        pltpu.sync_copy(zeros_hbm.at[pl.ds(s * RP, RP)], zsh.at[pl.ds(s * RP, RP)])
        plsc.subcore_barrier()

        def step(j, carry):
            pltpu.sync_copy(ones_v, zsh.at[dst_v.at[j]], add=True)
            return carry

        lax.fori_loop(0, CH, step, 0)
        plsc.subcore_barrier()
        pltpu.sync_copy(zsh.at[pl.ds(s * RP, RP)], out_hbm.at[c].at[pl.ds(s * RP, RP)])

    return deg(e3, ones, zeros)


KH = 80
CHH = E // (NW * KH)
EPW = E // NW


@jax.jit
def _headdot(hw, h, e3h, fcb16):
    HD = 32

    @functools.partial(
        pl.kernel,
        out_type=jax.ShapeDtypeStruct((E,), jnp.float32),
        mesh=_MESH,
        scratch_types=[
            pltpu.VMEM((CHH, KH), jnp.int32),
            pltpu.VMEM((CHH, KH), jnp.int32),
            pltpu.VMEM((KH, HD), jnp.float32),
            pltpu.VMEM((KH, HD), jnp.float32),
            pltpu.VMEM((KH, HD), jnp.float32),
            pltpu.VMEM((KH, HD), jnp.float32),
            pltpu.VMEM((16,), jnp.float32),
            pltpu.VMEM((EPW,), jnp.float32),
            pltpu.SemaphoreType.DMA,
            pltpu.SemaphoreType.DMA,
        ],
        compiler_params=_SC_VPARAMS,
    )
    def hd(hw_hbm, h_hbm, e3_hbm, fcb_hbm, out_hbm, src_v, dst_v,
           ra0_v, rb0_v, ra1_v, rb1_v, fcb_v, out_v, s0, s1):
        c = lax.axis_index("c")
        s = lax.axis_index("s")
        w = s * NC + c
        pltpu.sync_copy(e3_hbm.at[0].at[pl.ds(w * CHH, CHH)], src_v)
        pltpu.sync_copy(e3_hbm.at[1].at[pl.ds(w * CHH, CHH)], dst_v)
        pltpu.sync_copy(fcb_hbm, fcb_v)
        pltpu.async_copy(hw_hbm.at[src_v.at[0]], ra0_v, s0)
        pltpu.async_copy(h_hbm.at[dst_v.at[0]], rb0_v, s0)
        pltpu.async_copy(hw_hbm.at[src_v.at[1]], ra1_v, s1)
        pltpu.async_copy(h_hbm.at[dst_v.at[1]], rb1_v, s1)
        lanes = jnp.arange(16, dtype=jnp.int32)

        def process(j, ra_v, rb_v, sem, prefetch):
            pltpu.make_async_copy(hw_hbm.at[src_v.at[j]], ra_v, sem).wait()
            pltpu.make_async_copy(h_hbm.at[dst_v.at[j]], rb_v, sem).wait()
            for g in range(KH // 16):
                rows = lanes + (g * 16)
                accs = [fcb_v[...], None, None, None]
                for k in range(HD):
                    col = jnp.bitwise_and(lanes + k, HD - 1)
                    p = plsc.load_gather(ra_v, [rows, col]) * plsc.load_gather(rb_v, [rows, col])
                    a = accs[k % 4]
                    accs[k % 4] = p if a is None else a + p
                acc = (accs[0] + accs[1]) + (accs[2] + accs[3])
                out_v[pl.ds(j * KH + g * 16, 16)] = 1.0 / (1.0 + jnp.exp(-acc))
            if prefetch:
                jp = jnp.minimum(j + 2, CHH - 1)
                pltpu.async_copy(hw_hbm.at[src_v.at[jp]], ra_v, sem)
                pltpu.async_copy(h_hbm.at[dst_v.at[jp]], rb_v, sem)

        def step(jj, carry):
            process(jj * 2, ra0_v, rb0_v, s0, True)
            process(jj * 2 + 1, ra1_v, rb1_v, s1, True)
            return carry

        lax.fori_loop(0, CHH // 2, step, 0)
        process(CHH - 1, ra0_v, rb0_v, s0, False)
        pltpu.make_async_copy(hw_hbm.at[src_v.at[0]], ra1_v, s1).wait()
        pltpu.make_async_copy(h_hbm.at[dst_v.at[0]], rb1_v, s1).wait()
        pltpu.sync_copy(out_v, out_hbm.at[pl.ds(w * EPW, EPW)])

    return hd(hw, h, e3h, fcb16)


def _first_tc(x, W0, degp):
    F = W0.shape[1]

    def body(x_ref, w_ref, dp_ref, y_ref, dinv_ref):
        deg = dp_ref[0, :, 0:1] + dp_ref[1, :, 0:1] + 1.0
        dinv = lax.rsqrt(deg)
        dinv_ref[...] = dinv
        y_ref[0] = dinv * jnp.dot(x_ref[...], w_ref[...], preferred_element_type=jnp.float32)

    return pl.pallas_call(
        body,
        grid=(NB,),
        in_specs=[
            pl.BlockSpec((RB, x.shape[1]), lambda b: (b, 0)),
            pl.BlockSpec((x.shape[1], F), lambda b: (0, 0)),
            pl.BlockSpec((2, RB, 8), lambda b: (0, b, 0)),
        ],
        out_specs=(
            pl.BlockSpec((1, RB, F), lambda b: (0, b, 0)),
            pl.BlockSpec((RB, 1), lambda b: (b, 0)),
        ),
        out_shape=(
            jax.ShapeDtypeStruct((1, N, F), jnp.float32),
            jax.ShapeDtypeStruct((N, 1), jnp.float32),
        ),
    )(x, W0, degp)


def _layer_tc(z, y, dinv, b, g, be, W, NFC2, FC2):
    NFC, _, FC = y.shape
    F = NFC * FC

    def body(z_ref, y_ref, dinv_ref, b_ref, g_ref, be_ref, w_ref, o_ref, t_sc, st_sc):
        p = pl.program_id(0)
        i = pl.program_id(1)

        @pl.when(p == 0)
        def _():
            parts = [z_ref[0, f] + z_ref[1, f] + y_ref[f] for f in range(NFC)]
            zy = jnp.concatenate(parts, axis=1) if NFC > 1 else parts[0]
            t = dinv_ref[...] * zy + b_ref[...]
            t_sc[pl.ds(i * RB, RB), :] = t

            @pl.when(i == 0)
            def _():
                st_sc[...] = jnp.zeros_like(st_sc)

            st_sc[0:1, :] += jnp.sum(t, axis=0, keepdims=True)
            st_sc[1:2, :] += jnp.sum(t * t, axis=0, keepdims=True)

        @pl.when(p == 1)
        def _():
            tb = t_sc[pl.ds(i * RB, RB), :]
            h = _bn_relu_v(tb, st_sc, g_ref, be_ref)
            yp = dinv_ref[...] * jnp.dot(h, w_ref[...], preferred_element_type=jnp.float32)
            for f in range(NFC2):
                o_ref[f] = yp[:, f * FC2:(f + 1) * FC2]

    return pl.pallas_call(
        body,
        grid=(2, NB),
        in_specs=[
            pl.BlockSpec((2, NFC, RB, FC), lambda p, i: (0, 0, jnp.where(p == 0, i, 0), 0)),
            pl.BlockSpec((NFC, RB, FC), lambda p, i: (0, jnp.where(p == 0, i, 0), 0)),
            pl.BlockSpec((RB, 1), lambda p, i: (i, 0)),
            pl.BlockSpec((1, F), lambda p, i: (0, 0)),
            pl.BlockSpec((1, F), lambda p, i: (0, 0)),
            pl.BlockSpec((1, F), lambda p, i: (0, 0)),
            pl.BlockSpec((F, NFC2 * FC2), lambda p, i: (0, 0)),
        ],
        out_specs=pl.BlockSpec((NFC2, RB, FC2), lambda p, i: (0, jnp.where(p == 1, i, 0), 0)),
        out_shape=jax.ShapeDtypeStruct((NFC2, N, FC2), jnp.float32),
        scratch_shapes=[
            pltpu.VMEM((N, F), jnp.float32),
            pltpu.VMEM((2, F), jnp.float32),
        ],
    )(z, y, dinv, b, g, be, W)


def _layer_last_tc(z, y, dinv, b, g, be, fcw_row):
    NFC, _, FC = y.shape
    F = NFC * FC

    def body(z_ref, y_ref, dinv_ref, b_ref, g_ref, be_ref, fw_ref, h_ref, hw_ref, t_sc, st_sc):
        p = pl.program_id(0)
        i = pl.program_id(1)

        @pl.when(p == 0)
        def _():
            t = dinv_ref[...] * (z_ref[0, 0] + z_ref[1, 0] + y_ref[0]) + b_ref[...]
            t_sc[pl.ds(i * RB, RB), :] = t

            @pl.when(i == 0)
            def _():
                st_sc[...] = jnp.zeros_like(st_sc)

            st_sc[0:1, :] += jnp.sum(t, axis=0, keepdims=True)
            st_sc[1:2, :] += jnp.sum(t * t, axis=0, keepdims=True)

        @pl.when(p == 1)
        def _():
            tb = t_sc[pl.ds(i * RB, RB), :]
            h = _bn_relu_v(tb, st_sc, g_ref, be_ref)
            h_ref[...] = h
            hw_ref[...] = h * fw_ref[...]

    return pl.pallas_call(
        body,
        grid=(2, NB),
        in_specs=[
            pl.BlockSpec((2, NFC, RB, FC), lambda p, i: (0, 0, jnp.where(p == 0, i, 0), 0)),
            pl.BlockSpec((NFC, RB, FC), lambda p, i: (0, jnp.where(p == 0, i, 0), 0)),
            pl.BlockSpec((RB, 1), lambda p, i: (i, 0)),
            pl.BlockSpec((1, F), lambda p, i: (0, 0)),
            pl.BlockSpec((1, F), lambda p, i: (0, 0)),
            pl.BlockSpec((1, F), lambda p, i: (0, 0)),
            pl.BlockSpec((1, F), lambda p, i: (0, 0)),
        ],
        out_specs=(
            pl.BlockSpec((RB, F), lambda p, i: (jnp.where(p == 1, i, 0), 0)),
            pl.BlockSpec((RB, F), lambda p, i: (jnp.where(p == 1, i, 0), 0)),
        ),
        out_shape=(
            jax.ShapeDtypeStruct((N, F), jnp.float32),
            jax.ShapeDtypeStruct((N, F), jnp.float32),
        ),
        scratch_shapes=[
            pltpu.VMEM((N, F), jnp.float32),
            pltpu.VMEM((2, F), jnp.float32),
        ],
    )(z, y, dinv, b, g, be, fcw_row)


def _bn_relu_v(t, st_sc, g_ref, be_ref):
    mu = st_sc[0:1, :] * (1.0 / N)
    var = st_sc[1:2, :] * (1.0 / N) - mu * mu
    inv = lax.rsqrt(var + 1e-5)
    return jnp.maximum(g_ref[...] * (t - mu) * inv + be_ref[...], 0.0)


def _stats_tc(z, y, dinv, b):
    NFC, _, FC = y.shape
    F = NFC * FC

    def body(z_ref, y_ref, dinv_ref, b_ref, t_ref, st_ref):
        i = pl.program_id(0)
        parts = [z_ref[0, f] + z_ref[1, f] + y_ref[f] for f in range(NFC)]
        zy = jnp.concatenate(parts, axis=1) if NFC > 1 else parts[0]
        t = dinv_ref[...] * zy + b_ref[...]
        t_ref[...] = t

        @pl.when(i == 0)
        def _():
            st_ref[...] = jnp.zeros_like(st_ref)

        st_ref[0:1, :] += jnp.sum(t, axis=0, keepdims=True)
        st_ref[1:2, :] += jnp.sum(t * t, axis=0, keepdims=True)

    return pl.pallas_call(
        body,
        grid=(NB,),
        in_specs=[
            pl.BlockSpec((2, NFC, RB, FC), lambda b: (0, 0, b, 0)),
            pl.BlockSpec((NFC, RB, FC), lambda b: (0, b, 0)),
            pl.BlockSpec((RB, 1), lambda b: (b, 0)),
            pl.BlockSpec((1, F), lambda b: (0, 0)),
        ],
        out_specs=(
            pl.BlockSpec((RB, F), lambda b: (b, 0)),
            pl.BlockSpec((2, F), lambda b: (0, 0)),
        ),
        out_shape=(
            jax.ShapeDtypeStruct((N, F), jnp.float32),
            jax.ShapeDtypeStruct((2, F), jnp.float32),
        ),
    )(z, y, dinv, b)


def _bn_relu(t_ref, st_ref, g_ref, be_ref):
    mu = st_ref[0:1, :] * (1.0 / N)
    var = st_ref[1:2, :] * (1.0 / N) - mu * mu
    inv = lax.rsqrt(var + 1e-5)
    return jnp.maximum(g_ref[...] * (t_ref[...] - mu) * inv + be_ref[...], 0.0)


def _apply_tc(t, st, g, be, dinv, W, NFC2, FC2):
    F = t.shape[1]

    def body(t_ref, st_ref, g_ref, be_ref, dinv_ref, w_ref, o_ref):
        h = _bn_relu(t_ref, st_ref, g_ref, be_ref)
        yp = dinv_ref[...] * jnp.dot(h, w_ref[...], preferred_element_type=jnp.float32)
        for f in range(NFC2):
            o_ref[f] = yp[:, f * FC2:(f + 1) * FC2]

    return pl.pallas_call(
        body,
        grid=(NB,),
        in_specs=[
            pl.BlockSpec((RB, F), lambda b: (b, 0)),
            pl.BlockSpec((2, F), lambda b: (0, 0)),
            pl.BlockSpec((1, F), lambda b: (0, 0)),
            pl.BlockSpec((1, F), lambda b: (0, 0)),
            pl.BlockSpec((RB, 1), lambda b: (b, 0)),
            pl.BlockSpec((F, NFC2 * FC2), lambda b: (0, 0)),
        ],
        out_specs=pl.BlockSpec((NFC2, RB, FC2), lambda b: (0, b, 0)),
        out_shape=jax.ShapeDtypeStruct((NFC2, N, FC2), jnp.float32),
    )(t, st, g, be, dinv, W)


def _apply_last_tc(t, st, g, be, fcw_row):
    F = t.shape[1]

    def body(t_ref, st_ref, g_ref, be_ref, fw_ref, h_ref, hw_ref):
        h = _bn_relu(t_ref, st_ref, g_ref, be_ref)
        h_ref[...] = h
        hw_ref[...] = h * fw_ref[...]

    return pl.pallas_call(
        body,
        grid=(NB,),
        in_specs=[
            pl.BlockSpec((RB, F), lambda b: (b, 0)),
            pl.BlockSpec((2, F), lambda b: (0, 0)),
            pl.BlockSpec((1, F), lambda b: (0, 0)),
            pl.BlockSpec((1, F), lambda b: (0, 0)),
            pl.BlockSpec((1, F), lambda b: (0, 0)),
        ],
        out_specs=(
            pl.BlockSpec((RB, F), lambda b: (b, 0)),
            pl.BlockSpec((RB, F), lambda b: (b, 0)),
        ),
        out_shape=(
            jax.ShapeDtypeStruct((N, F), jnp.float32),
            jax.ShapeDtypeStruct((N, F), jnp.float32),
        ),
    )(t, st, g, be, fcw_row)


def kernel(x, edge_index, W0, b0, g0, be0, W1, b1, g1, be1, W2, b2, g2, be2,
           W3, b3, g3, be3, W4, b4, g4, be4, fcW, fcb):
    e3 = edge_index.reshape(2, E // K, K)
    Ws = [W0, W1, W2, W3, W4]
    bs = [b0, b1, b2, b3, b4]
    gs = [g0, g1, g2, g3, g4]
    bes = [be0, be1, be2, be3, be4]

    degp = _deg(e3, jnp.ones((K, 8), jnp.float32), jnp.zeros((NP, 8), jnp.float32))
    y, dinv = _first_tc(x, W0, degp)

    for i in range(5):
        NFC, _, FC = y.shape
        F = NFC * FC
        z = _spmm(y, e3, jnp.zeros((NP, FC), jnp.float32), NFC, FC)
        t, st = _stats_tc(z, y, dinv, bs[i].reshape(1, F))
        if i < 4:
            F2 = Ws[i + 1].shape[1]
            NFC2 = 2 if F2 > 128 else 1
            y = _apply_tc(t, st, gs[i].reshape(1, F), bes[i].reshape(1, F), dinv,
                          Ws[i + 1], NFC2, F2 // NFC2)
        else:
            h5, h5w = _apply_last_tc(t, st, gs[i].reshape(1, F), bes[i].reshape(1, F),
                                     fcW[:, 0].reshape(1, F))

    e3h = edge_index.reshape(2, E // KH, KH)
    fcb16 = jnp.broadcast_to(fcb.reshape(1), (16,))
    return _headdot(h5w, h5, e3h, fcb16).reshape(E, 1)

# --- scband reference (transcript-rebuilt; emitter-appended) ---
"""Pipeline reference for scband-gcn-62491774157400 (READ-ONLY COPY).

The authoritative reference and input builder live on the scoring server;
editing this copy changes nothing except your own understanding.
"""

import jax, jax.numpy as jnp
import numpy as np

N = 10000
E = 320000
DIMS = [128, 128, 256, 128, 64, 32]


def gcn_conv(x, src, dst, W, b):
    n = x.shape[0]
    x = x @ W
    loop = jnp.arange(n, dtype=src.dtype)
    s = jnp.concatenate([src, loop])
    d = jnp.concatenate([dst, loop])
    ew = jnp.ones(s.shape[0], dtype=x.dtype)
    deg = jnp.zeros((n,), x.dtype).at[d].add(ew)
    dinv = jnp.where(deg > 0, jax.lax.rsqrt(jnp.maximum(deg, 1e-12)), 0.0)
    norm = dinv[s] * ew * dinv[d]
    msgs = x[s] * norm[:, None]
    out = jnp.zeros((n, x.shape[1]), x.dtype).at[d].add(msgs)
    return out + b


def batchnorm(x, gamma, beta, eps=1e-5):
    mu = jnp.mean(x, axis=0)
    var = jnp.var(x, axis=0)
    return gamma * (x - mu) / jnp.sqrt(var + eps) + beta


def setup_inputs(seed: int = 0):
    key = jax.random.key(seed)
    ks = jax.random.split(key, 40)
    inp = {}
    inp["x"] = jax.random.normal(ks[0], (N, DIMS[0]), jnp.float32)
    inp["edge_index"] = jax.random.randint(ks[1], (2, E), 0, N, dtype=jnp.int32)
    for i in range(5):
        fin, fout = DIMS[i], DIMS[i + 1]
        scale = 1.0 / np.sqrt(fin)
        inp["W" + str(i)] = jax.random.uniform(ks[2 + 4 * i], (fin, fout), jnp.float32, -scale, scale)
        inp["b" + str(i)] = jax.random.uniform(ks[3 + 4 * i], (fout,), jnp.float32, -scale, scale)
        inp["g" + str(i)] = jnp.ones((fout,), jnp.float32)
        inp["be" + str(i)] = jnp.zeros((fout,), jnp.float32)
    sc = 1.0 / np.sqrt(DIMS[-1])
    inp["fcW"] = jax.random.uniform(ks[30], (DIMS[-1], 1), jnp.float32, -sc, sc)
    inp["fcb"] = jax.random.uniform(ks[31], (1,), jnp.float32, -sc, sc)
    return inp


def reference(x, edge_index, W0, b0, g0, be0, W1, b1, g1, be1, W2, b2, g2, be2, W3, b3, g3, be3, W4, b4, g4, be4, fcW, fcb):
    src, dst = edge_index[0], edge_index[1]
    Ws = [W0, W1, W2, W3, W4]
    bs = [b0, b1, b2, b3, b4]
    gs = [g0, g1, g2, g3, g4]
    bes = [be0, be1, be2, be3, be4]
    h = x
    for i in range(5):
        h = gcn_conv(h, src, dst, Ws[i], bs[i])
        h = batchnorm(h, gs[i], bes[i])
        h = jax.nn.relu(h)
    ee = h[src] * h[dst]
    out = ee @ fcW + fcb
    return jax.nn.sigmoid(out)

if __name__ == "__main__":
    import jax
    _d = setup_inputs()
    print(jax.jit(kernel)(*tuple(_d.values())))

</pallas_src>

<mosaic_0001>
#map = affine_map<(d0, d1) -> (0, 0, 0)>
#map1 = affine_map<(d0, d1) -> (0, 0)>
module attributes {stable_mosaic.version = 14 : i64} {
  func.func @deg(%arg0: i32, %arg1: i32, %arg2: memref<2x6400x50xi32, #tpu.memory_space<hbm>>, %arg3: memref<50x8xf32, #tpu.memory_space<hbm>>, %arg4: memref<10240x8xf32, #tpu.memory_space<hbm>>, %arg5: memref<2x10240x8xf32, #tpu.memory_space<hbm>>, %arg6: memref<200x50xi32, #tpu.memory_space<vmem>>, %arg7: memref<50x8xf32, #tpu.memory_space<vmem>>, %arg8: memref<10240x8xf32, #tpu.memory_space<vmem_shared>>) attributes {dimension_semantics = [#tpu.dimension_semantics<core_parallel>, #tpu.dimension_semantics<subcore_parallel>], iteration_bounds = array<i64: 2, 16>, scalar_prefetch = 0 : i64, scratch_operands = 3 : i64, tpu.core_type = #tpu.core_type<sc_vector_subcore>, window_params = [{transform_indices = #map}, {transform_indices = #map1}, {transform_indices = #map1}, {transform_indices = #map}]} {
    %mul3A = arith.constant 2 : i32
    %mul3A_0 = arith.muli %arg1, %mul3A : i32
    %add3A = arith.addi %mul3A_0, %arg0 : i32
    %mul3A_1 = arith.constant 200 : i32
    %mul3A_2 = arith.muli %add3A, %mul3A_1 : i32
    %run_scoped3A = arith.constant 1 : i32
    "tpu.region"() ({
      %run_scoped3A_17 = tpu.sem_alloc : memref<!tpu.dma_semaphore, #tpu.memory_space<semaphore_mem>>
      %dma_start3A = arith.constant 0 : i32
      %dma_start3A_18 = arith.constant 0 : i32
      %dma_start3A_19 = tpu.memref_slice %arg2[%run_scoped3A, %dma_start3A, %dma_start3A_18] : memref<2x6400x50xi32, #tpu.memory_space<hbm>> -> memref<1x6400x50xi32, #tpu.memory_space<hbm>>
      %dma_start3A_20 = tpu.memref_squeeze %dma_start3A_19 : memref<1x6400x50xi32, #tpu.memory_space<hbm>> -> memref<6400x50xi32, #tpu.memory_space<hbm>>
      %dma_start3A_21 = arith.constant 0 : i32
      %dma_start3A_22 = tpu.memref_slice %dma_start3A_20[%mul3A_2, %dma_start3A_21] : memref<6400x50xi32, #tpu.memory_space<hbm>> -> memref<200x50xi32, #tpu.memory_space<hbm>>
      %dma_start3A_23 = arith.constant 0 : i32
      %dma_start3A_24 = arith.constant 0 : i32
      %dma_start3A_25 = tpu.memref_slice %arg2[%run_scoped3A, %dma_start3A_23, %dma_start3A_24] : memref<2x6400x50xi32, #tpu.memory_space<hbm>> -> memref<1x6400x50xi32, #tpu.memory_space<hbm>>
      %dma_start3A_26 = tpu.memref_squeeze %dma_start3A_25 : memref<1x6400x50xi32, #tpu.memory_space<hbm>> -> memref<6400x50xi32, #tpu.memory_space<hbm>>
      %dma_start3A_27 = arith.constant 0 : i32
      %dma_start3A_28 = tpu.memref_slice %dma_start3A_26[%mul3A_2, %dma_start3A_27] : memref<6400x50xi32, #tpu.memory_space<hbm>> -> memref<200x50xi32, #tpu.memory_space<hbm>>
      tpu.enqueue_dma source(%dma_start3A_28 : memref<200x50xi32, #tpu.memory_space<hbm>>) target(%arg6 : memref<200x50xi32, #tpu.memory_space<vmem>>) target_semaphore(%run_scoped3A_17 : memref<!tpu.dma_semaphore, #tpu.memory_space<semaphore_mem>>)
      %dma_wait3A = arith.constant 0 : i32
      %dma_wait3A_29 = arith.constant 0 : i32
      %dma_wait3A_30 = tpu.memref_slice %arg2[%run_scoped3A, %dma_wait3A, %dma_wait3A_29] : memref<2x6400x50xi32, #tpu.memory_space<hbm>> -> memref<1x6400x50xi32, #tpu.memory_space<hbm>>
      %dma_wait3A_31 = tpu.memref_squeeze %dma_wait3A_30 : memref<1x6400x50xi32, #tpu.memory_space<hbm>> -> memref<6400x50xi32, #tpu.memory_space<hbm>>
      %dma_wait3A_32 = arith.constant 0 : i32
      %dma_wait3A_33 = tpu.memref_slice %dma_wait3A_31[%mul3A_2, %dma_wait3A_32] : memref<6400x50xi32, #tpu.memory_space<hbm>> -> memref<200x50xi32, #tpu.memory_space<hbm>>
      %dma_wait3A_34 = arith.constant 0 : i32
      %dma_wait3A_35 = arith.constant 0 : i32
      %dma_wait3A_36 = tpu.memref_slice %arg2[%run_scoped3A, %dma_wait3A_34, %dma_wait3A_35] : memref<2x6400x50xi32, #tpu.memory_space<hbm>> -> memref<1x6400x50xi32, #tpu.memory_space<hbm>>
      %dma_wait3A_37 = tpu.memref_squeeze %dma_wait3A_36 : memref<1x6400x50xi32, #tpu.memory_space<hbm>> -> memref<6400x50xi32, #tpu.memory_space<hbm>>
      %dma_wait3A_38 = arith.constant 0 : i32
      %dma_wait3A_39 = tpu.memref_slice %dma_wait3A_37[%mul3A_2, %dma_wait3A_38] : memref<6400x50xi32, #tpu.memory_space<hbm>> -> memref<200x50xi32, #tpu.memory_space<hbm>>
      tpu.wait_dma2 semaphore(%run_scoped3A_17 : memref<!tpu.dma_semaphore, #tpu.memory_space<semaphore_mem>>) src(%dma_wait3A_39 : memref<200x50xi32, #tpu.memory_space<hbm>>) dst(%arg6 : memref<200x50xi32, #tpu.memory_space<vmem>>)
      tpu.yield
    }) : () -> ()
    "tpu.region"() ({
      %run_scoped3A_17 = tpu.sem_alloc : memref<!tpu.dma_semaphore, #tpu.memory_space<semaphore_mem>>
      tpu.enqueue_dma source(%arg3 : memref<50x8xf32, #tpu.memory_space<hbm>>) target(%arg7 : memref<50x8xf32, #tpu.memory_space<vmem>>) target_semaphore(%run_scoped3A_17 : memref<!tpu.dma_semaphore, #tpu.memory_space<semaphore_mem>>)
      tpu.wait_dma2 semaphore(%run_scoped3A_17 : memref<!tpu.dma_semaphore, #tpu.memory_space<semaphore_mem>>) src(%arg3 : memref<50x8xf32, #tpu.memory_space<hbm>>) dst(%arg7 : memref<50x8xf32, #tpu.memory_space<vmem>>)
      tpu.yield
    }) : () -> ()
    %mul3A_3 = arith.constant 640 : i32
    %mul3A_4 = arith.muli %arg1, %mul3A_3 : i32
    %mul3A_5 = arith.constant 640 : i32
    %mul3A_6 = arith.muli %arg1, %mul3A_5 : i32
    "tpu.region"() ({
      %run_scoped3A_17 = tpu.sem_alloc : memref<!tpu.dma_semaphore, #tpu.memory_space<semaphore_mem>>
      %dma_start3A = arith.constant 0 : i32
      %dma_start3A_18 = tpu.memref_slice %arg8[%mul3A_6, %dma_start3A] : memref<10240x8xf32, #tpu.memory_space<vmem_shared>> -> memref<640x8xf32, #tpu.memory_space<vmem_shared>>
      %dma_start3A_19 = arith.constant 0 : i32
      %dma_start3A_20 = tpu.memref_slice %arg4[%mul3A_4, %dma_start3A_19] : memref<10240x8xf32, #tpu.memory_space<hbm>> -> memref<640x8xf32, #tpu.memory_space<hbm>>
      tpu.enqueue_dma source(%dma_start3A_20 : memref<640x8xf32, #tpu.memory_space<hbm>>) target(%dma_start3A_18 : memref<640x8xf32, #tpu.memory_space<vmem_shared>>) target_semaphore(%run_scoped3A_17 : memref<!tpu.dma_semaphore, #tpu.memory_space<semaphore_mem>>)
      %dma_wait3A = arith.constant 0 : i32
      %dma_wait3A_21 = tpu.memref_slice %arg8[%mul3A_6, %dma_wait3A] : memref<10240x8xf32, #tpu.memory_space<vmem_shared>> -> memref<640x8xf32, #tpu.memory_space<vmem_shared>>
      %dma_wait3A_22 = arith.constant 0 : i32
      %dma_wait3A_23 = tpu.memref_slice %arg4[%mul3A_4, %dma_wait3A_22] : memref<10240x8xf32, #tpu.memory_space<hbm>> -> memref<640x8xf32, #tpu.memory_space<hbm>>
      tpu.wait_dma2 semaphore(%run_scoped3A_17 : memref<!tpu.dma_semaphore, #tpu.memory_space<semaphore_mem>>) src(%dma_wait3A_23 : memref<640x8xf32, #tpu.memory_space<hbm>>) dst(%dma_wait3A_21 : memref<640x8xf32, #tpu.memory_space<vmem_shared>>)
      tpu.yield
    }) : () -> ()
    %barrier3A = arith.constant 0 : index
    tpu.barrier barrier_id(%barrier3A)
    %scan3A = arith.constant 0 : i32
    %scan3A_7 = arith.constant 0 : i32
    %scan3A_8 = arith.constant 200 : i32
    %scan3A_9 = arith.addi %scan3A_7, %scan3A_8 : i32
    %scan3A_10 = arith.constant 1 : i32
    scf.for %scan3A_17 = %scan3A_7 to %scan3A_9 step %scan3A_10  : i32 {
      "tpu.region"() ({
        %run_scoped3A_18 = tpu.sem_alloc : memref<!tpu.dma_semaphore, #tpu.memory_space<semaphore_mem>>
        %dma_start3A = arith.constant 0 : i32
        %dma_start3A_19 = tpu.memref_slice %arg6[%scan3A_17, %dma_start3A] : memref<200x50xi32, #tpu.memory_space<vmem>> -> memref<1x50xi32, #tpu.memory_space<vmem>>
        %dma_start3A_20 = tpu.memref_squeeze %dma_start3A_19 : memref<1x50xi32, #tpu.memory_space<vmem>> -> memref<50xi32, #tpu.memory_space<vmem>>
        %dma_start3A_21 = arith.constant 0 : i32
        %dma_start3A_22 = arith.constant 0 : i32
        %dma_start3A_23 = tpu.memref_slice %arg8[%dma_start3A_21, %dma_start3A_22] : memref<10240x8xf32, #tpu.memory_space<vmem_shared>> -> memref<10240x8xf32, #tpu.memory_space<vmem_shared>>
        tpu.enqueue_indirect_dma source(%arg7 : memref<50x8xf32, #tpu.memory_space<vmem>>) target(%dma_start3A_23 : memref<10240x8xf32, #tpu.memory_space<vmem_shared>>) offsets(%dma_start3A_20 : memref<50xi32, #tpu.memory_space<vmem>>) semaphore(%run_scoped3A_18 : memref<!tpu.dma_semaphore, #tpu.memory_space<semaphore_mem>>) {add = true}
        %dma_wait3A = arith.constant 0 : i32
        %dma_wait3A_24 = tpu.memref_slice %arg6[%scan3A_17, %dma_wait3A] : memref<200x50xi32, #tpu.memory_space<vmem>> -> memref<1x50xi32, #tpu.memory_space<vmem>>
        %dma_wait3A_25 = tpu.memref_squeeze %dma_wait3A_24 : memref<1x50xi32, #tpu.memory_space<vmem>> -> memref<50xi32, #tpu.memory_space<vmem>>
        %dma_wait3A_26 = arith.constant 0 : i32
        %dma_wait3A_27 = arith.constant 0 : i32
        %dma_wait3A_28 = tpu.memref_slice %arg8[%dma_wait3A_26, %dma_wait3A_27] : memref<10240x8xf32, #tpu.memory_space<vmem_shared>> -> memref<10240x8xf32, #tpu.memory_space<vmem_shared>>
        tpu.wait_indirect_dma semaphore(%run_scoped3A_18 : memref<!tpu.dma_semaphore, #tpu.memory_space<semaphore_mem>>) src(%arg7 : memref<50x8xf32, #tpu.memory_space<vmem>>) dst(%dma_wait3A_28 : memref<10240x8xf32, #tpu.memory_space<vmem_shared>>)
        tpu.yield
      }) : () -> ()
    }
    %scan3A_11 = arith.constant 200 : i32
    %barrier3A_12 = arith.constant 0 : index
    tpu.barrier barrier_id(%barrier3A_12)
    %mul3A_13 = arith.constant 640 : i32
    %mul3A_14 = arith.muli %arg1, %mul3A_13 : i32
    %mul3A_15 = arith.constant 640 : i32
    %mul3A_16 = arith.muli %arg1, %mul3A_15 : i32
    "tpu.region"() ({
      %run_scoped3A_17 = tpu.sem_alloc : memref<!tpu.dma_semaphore, #tpu.memory_space<semaphore_mem>>
      %dma_start3A = arith.constant 0 : i32
      %dma_start3A_18 = arith.constant 0 : i32
      %dma_start3A_19 = tpu.memref_slice %arg5[%arg0, %dma_start3A, %dma_start3A_18] : memref<2x10240x8xf32, #tpu.memory_space<hbm>> -> memref<1x10240x8xf32, #tpu.memory_space<hbm>>
      %dma_start3A_20 = tpu.memref_squeeze %dma_start3A_19 : memref<1x10240x8xf32, #tpu.memory_space<hbm>> -> memref<10240x8xf32, #tpu.memory_space<hbm>>
      %dma_start3A_21 = arith.constant 0 : i32
      %dma_start3A_22 = tpu.memref_slice %dma_start3A_20[%mul3A_16, %dma_start3A_21] : memref<10240x8xf32, #tpu.memory_space<hbm>> -> memref<640x8xf32, #tpu.memory_space<hbm>>
      %dma_start3A_23 = arith.constant 0 : i32
      %dma_start3A_24 = tpu.memref_slice %arg8[%mul3A_14, %dma_start3A_23] : memref<10240x8xf32, #tpu.memory_space<vmem_shared>> -> memref<640x8xf32, #tpu.memory_space<vmem_shared>>
      tpu.enqueue_dma source(%dma_start3A_24 : memref<640x8xf32, #tpu.memory_space<vmem_shared>>) target(%dma_start3A_22 : memref<640x8xf32, #tpu.memory_space<hbm>>) target_semaphore(%run_scoped3A_17 : memref<!tpu.dma_semaphore, #tpu.memory_space<semaphore_mem>>)
      %dma_wait3A = arith.constant 0 : i32
      %dma_wait3A_25 = arith.constant 0 : i32
      %dma_wait3A_26 = tpu.memref_slice %arg5[%arg0, %dma_wait3A, %dma_wait3A_25] : memref<2x10240x8xf32, #tpu.memory_space<hbm>> -> memref<1x10240x8xf32, #tpu.memory_space<hbm>>
      %dma_wait3A_27 = tpu.memref_squeeze %dma_wait3A_26 : memref<1x10240x8xf32, #tpu.memory_space<hbm>> -> memref<10240x8xf32, #tpu.memory_space<hbm>>
      %dma_wait3A_28 = arith.constant 0 : i32
      %dma_wait3A_29 = tpu.memref_slice %dma_wait3A_27[%mul3A_16, %dma_wait3A_28] : memref<10240x8xf32, #tpu.memory_space<hbm>> -> memref<640x8xf32, #tpu.memory_space<hbm>>
      %dma_wait3A_30 = arith.constant 0 : i32
      %dma_wait3A_31 = tpu.memref_slice %arg8[%mul3A_14, %dma_wait3A_30] : memref<10240x8xf32, #tpu.memory_space<vmem_shared>> -> memref<640x8xf32, #tpu.memory_space<vmem_shared>>
      tpu.wait_dma2 semaphore(%run_scoped3A_17 : memref<!tpu.dma_semaphore, #tpu.memory_space<semaphore_mem>>) src(%dma_wait3A_31 : memref<640x8xf32, #tpu.memory_space<vmem_shared>>) dst(%dma_wait3A_29 : memref<640x8xf32, #tpu.memory_space<hbm>>)
      tpu.yield
    }) : () -> ()
    return
  }
}

</mosaic_0001>

<sc_bundles>
// kernel: _deg.3.cloned.1.call-start
scs
__scs_entry_jumppad:
0x0: {  	(pc) =	sbr.rel $0x88, $3  }
0x1: {  	(tag) =	ssettag $0x0;
	lr =	simm.s32 $0x1  }
0x2: {  	[smem:$0x3F9E] =	sst lr;
	_ =	strace $0xD0000000  }
0x3: {  	_ = 	snop  }
0x4: {  	_ = 	snop  }
0x5: {  	_ = 	snop  }
0x6: {  	_ = 	snop  }
0x7: {  	_ = 	snop  }
__scs_overlays_trampoline_lowered:
0x8: {  	[smem:$0x3FAD] =	sst s0  }
0x9: {  	[smem:$0x3FAE] =	sst s1  }
0xa: {  	[smem:$0x3FAF] =	sst s2  }
0xb: {  	[smem:$0x3FB0] =	sst s3  }
0xc: {  	[smem:$0x3FB1] =	sst s4  }
0xd: {  	[smem:$0x3FB2] =	sst s5  }
0xe: {  	[smem:$0x3FB3] =	sst s6  }
0xf: {  	[smem:$0x3FB4] =	sst s7  }
0x10: {  	[smem:$0x3FB5] =	sst s8  }
0x11: {  	[smem:$0x3FB6] =	sst s9;
	s0 =	simm.s32 @!p0 $0x0  }
0x12: {  	s1 =	sld [smem:$0x3F9C];
	s0 =	simm.s32 @p0 $0x1  }
0x13: {  	[smem:$0x3FB7] =	sst s0;
	s0 =	simm.s32 @!p1 $0x0  }
0x14: {  	s2 =	sld [smem:$0x3F9B];
	s0 =	simm.s32 @p1 $0x1  }
0x15: {  	[smem:$0x3FB8] =	sst s0;
	s0 =	simm.s32 @!p2 $0x0  }
0x16: {  	s3 =	sld [smem:$0x3FDB];
	s0 =	simm.s32 @p2 $0x1  }
0x17: {  	s4 =	simm.s32 $0x1BF5;
	[smem:$0x3FBA] =	sst s0  }
0x18: {  	s0 =	sld [smem:$0x3F9D];
	_ =	swait.ge [sflag:s4], $0x0  }
0x19: {  	s7 =	sld [smem:$0x3F9E]  }
0x1a: {  	s8 =	sadd.s32 $0xFFFFE003, lr  }
0x1b: {  	s9 =	sadd.s32 $0xFFFFFEF7, lr;
	s5 =	simm.s32 $0xFFFFFFFF;
	p2 =	slt.u32 s8, $0xFFFFF086  }
0x1c: {  	p1 =	slt.u32 s9, $0xF7A;
	s5 =	simm.s32 @!p2 $0x0  }
0x1d: {  	s5 =	simm.s32 @p1 $0x1;
	p0 =	seq.s32 s7, s2  }
0x1e: {  	s7 =	smul.u32 @!p0 $0xF7A, s2;
	p2 =	seq.s32 @!p0 s5, $0x0  }
0x1f: {  	s9 =	smul.u32 $0xF7A, s1;
	s8 =	simm.s32 @!p0 $0x1BF5;
	p2 =	por !p2, p0  }
0x20: {  	[sflag:s8] =	ssyncset.s32 @!p0 $0xFFFFF086;
	s6 =	sadd.s32 @!p0 s3, s7;
	s7 =	simm.s32 @!p0 $0x108  }
0x21: {  	s3 =	sadd.s32 s3, s9;
	s6 =	sadd.s32 @!p0 $0x88, s6;
	s7 =	simm.s32 @p2 $0x1082  }
0x22: {  	[simem:s7], [sflag:s8] =	dma.local @!p0 [hbm:s6], $0xF7A  }
0x23: {  	s9 =	sor.u32 $0xD0000000, s2;
	s6 =	simm.s32 $0x108;
	_ =	swait.ge @!p0 [sflag:s8], $0x0  }
0x24: {  	s3 =	sadd.s32 $0x88, s3;
	s6 =	simm.s32 @!p1 $0x1082;
	[sflag:s4] =	ssyncset.s32 $0xFFFFF086  }
0x25: {  	[simem:s6], [sflag:s4] =	dma.local [hbm:s3], $0xF7A  }
0x26: {  	[smem:$0x3F9E] =	sst s1;
	(tag) =	ssettag s2;
	_ =	strace s9  }
0x27: {  	s1 =	sld [smem:$0x3FAE]  }
0x28: {  	s2 =	sld [smem:$0x3FAF]  }
0x29: {  	s4 =	sld [smem:$0x3FB1]  }
0x2a: {  	p0 =	seq.s32 s5, $0x0;
	s5 =	sld [smem:$0x3FB2]  }
0x2b: {  	s6 =	sld [smem:$0x3FB3]  }
0x2c: {  	s7 =	sld [smem:$0x3FB4]  }
0x2d: {  	s3 =	simm.s32 $0x108;
	s8 =	sld [smem:$0x3FB5]  }
0x2e: {  	s3 =	simm.s32 @!p0 $0x1082;
	s9 =	sld [smem:$0x3FB6]  }
0x2f: {  	lr =	sadd.s32 s0, s3;
	s0 =	sld [smem:$0x3FAD]  }
0x30: {  	s3 =	sld [smem:$0x3FB0]  }
0x31: {  	[smem:$0x3FB9] =	sst s10  }
0x32: {  	s10 =	sld [smem:$0x3FB7];
	_ =	sdelay $0x3  }
0x33: {  	p0 =	seq.s32 s10, $0x1;
	s10 =	sld [smem:$0x3FB9];
	_ =	sdelay $0x3  }
0x34: {  	[smem:$0x3FB9] =	sst s10  }
0x35: {  	s10 =	sld [smem:$0x3FB8];
	_ =	sdelay $0x3  }
0x36: {  	p1 =	seq.s32 s10, $0x1;
	s10 =	sld [smem:$0x3FB9];
	_ =	sdelay $0x3  }
0x37: {  	[smem:$0x3FB9] =	sst s10  }
0x38: {  	s10 =	sld [smem:$0x3FBA]  }
0x39: {  	_ = 	snop;
	(pc) =	sbr.ind lr, $3  }
0x3a: {  	_ = 	snop  }
0x3b: {  	_ = 	snop  }
0x3c: {  	p2 =	seq.s32 s10, $0x1;
	s10 =	sld [smem:$0x3FB9]  }
0x3d: {  	_ =	shalt  }
0x3e: {  	_ =	shalt  }
0x3f: {  	_ =	shalt  }
0x40: {  	_ =	shalt  }
0x41: {  	_ =	shalt  }
0x42: {  	_ =	shalt  }
0x43: {  	_ =	shalt  }
0x44: {  	_ =	shalt  }
0x45: {  	_ =	shalt  }
0x46: {  	_ =	shalt  }
0x47: {  	_ =	shalt  }
0x48: {  	_ =	shalt  }
0x49: {  	_ =	shalt  }
0x4a: {  	_ =	shalt  }
0x4b: {  	_ =	shalt  }
0x4c: {  	_ =	shalt  }
0x4d: {  	_ =	shalt  }
0x4e: {  	_ =	shalt  }
0x4f: {  	_ =	shalt  }
0x50: {  	_ =	shalt  }
0x51: {  	_ =	shalt  }
0x52: {  	_ =	shalt  }
0x53: {  	_ =	shalt  }
0x54: {  	_ =	shalt  }
0x55: {  	_ =	shalt  }
0x56: {  	_ =	shalt  }
0x57: {  	_ =	shalt  }
0x58: {  	_ =	shalt  }
0x59: {  	_ =	shalt  }
0x5a: {  	_ =	shalt  }
0x5b: {  	_ =	shalt  }
0x5c: {  	_ =	shalt  }
0x5d: {  	_ =	shalt  }
0x5e: {  	_ =	shalt  }
0x5f: {  	_ =	shalt  }
0x60: {  	_ =	shalt  }
0x61: {  	_ =	shalt  }
0x62: {  	_ =	shalt  }
0x63: {  	_ =	shalt  }
0x64: {  	_ =	shalt  }
0x65: {  	_ =	shalt  }
0x66: {  	_ =	shalt  }
0x67: {  	_ =	shalt  }
0x68: {  	_ =	shalt  }
0x69: {  	_ =	shalt  }
0x6a: {  	_ =	shalt  }
0x6b: {  	_ =	shalt  }
0x6c: {  	_ =	shalt  }
0x6d: {  	_ =	shalt  }
0x6e: {  	_ =	shalt  }
0x6f: {  	_ =	shalt  }
0x70: {  	_ =	shalt  }
0x71: {  	_ =	shalt  }
0x72: {  	_ =	shalt  }
0x73: {  	_ =	shalt  }
0x74: {  	_ =	shalt  }
0x75: {  	_ =	shalt  }
0x76: {  	_ =	shalt  }
0x77: {  	_ =	shalt  }
0x78: {  	_ =	shalt  }
0x79: {  	_ =	shalt  }
0x7a: {  	_ =	shalt  }
0x7b: {  	_ =	shalt  }
0x7c: {  	_ =	shalt  }
0x7d: {  	_ =	shalt  }
0x7e: {  	_ =	shalt  }
0x7f: {  	_ =	shalt  }
0x80: {  	_ =	shalt  }
0x81: {  	_ =	shalt  }
0x82: {  	_ =	shalt  }
0x83: {  	_ =	shalt  }
0x84: {  	_ =	shalt  }
0x85: {  	_ =	shalt  }
0x86: {  	_ =	shalt  }
0x87: {  	_ =	shalt  }
.Lfunc_end0:
.L_simem_size_0:
called_computation_lowered:
.L_overlay_start_0:
0x88: {  	s2 =	sld [smem:$0x3FD9]  }
0x89: {  	s3 =	sld [smem:$0x3FFE];
	_ =	sdelay $0x1  }
0x8a: {  	s1 =	srdreg.scid  }
0x8b: {  	s0 =	sand.u32 $0x1, s1  }
0x8c: {  	s17 =	sshll.u32 s0, $0xA;
	s2 =	sadd.s32 s3, s2  }
0x8d: {  	s2 =	sadd.s32 s2, s17  }
0x8e: {  	[smem:$0x3FC5] =	sst s2  }
0x8f: {  	_ = 	snop  }
0x90: {  	s2 =	sld [smem:$0x3FD0];
	(tm) =	ssettm $0x1  }
0x91: {  	s18 =	sld [smem:$0x3FFB];
	_ =	sdelay $0x3  }
0x92: {  	_ =	strace s18  }
0x93: {  	s3 =	sld [smem:$0x3FFC];
	_ =	sdelay $0x3  }
0x94: {  	_ =	strace s3  }
0x95: {  	s3 =	sld [smem:$0x3FFD];
	_ =	sdelay $0x3  }
0x96: {  	_ =	strace s3  }
0x97: {  	_ =	strace $0x8FFFFFFF  }
0x98: {  	s19 =	sld [smem:$0x3FDB];
	_ =	sdelay $0x1  }
0x99: {  	s4 =	simm.s32 $_scs_section_size  }
0x9a: {  	s5 =	simm.s32 $_size__tile_overlayer_lowered;
	s6 =	simm.s32 $_tile_overlayer_lowered  }
0x9b: {  	s22 =	simm.s32 $0x1BFF;
	s21 =	sshll.u32 s6, $0x1;
	s3 =	sadd.s32 s4, s19  }
0x9c: {  	s7 =	simm.s32 $0x0;
	s20 =	sshll.u32 s5, $0x1;
	s5 =	sadd.s32 s21, s3  }
0x9d: {  	[timem:s7], [sflag:s22] =	dma.local [hbm:s5], s20  }
0x9e: {  	_ =	swait.ge [sflag:s22], s20  }
0x9f: {  	s4 =	ssub.s32 $0x0, s20;
	[sflag:s22] =	ssyncset.done $0x0  }
0xa0: {  	[sflag:s22] =	ssyncadd.s32 s4;
	_ =	sdelay $0x1  }
0xa1: {  	s23 =	simm.s32 $0x1B8B  }
0xa2: {  	_ =	swait.ge [sflag:s23], $0x1  }
0xa3: {  	[sflag:s23] =	ssyncset.done $0x0  }
0xa4: {  	s25 =	simm.s32 $0x1B8E;
	s24 =	sld [smem:$0x3FFE];
	[sflag:s23] =	ssyncadd.s32 $0xFFFFFFFF  }
0xa5: {  	s26 =	simm.s32 $execute0_lowered;
	[smem:$0x3FD2] =	sst s25  }
0xa6: {  	s5 =	sshll.u32 s26, $0x1;
	_ =	strace $0x80000046;
	[dreg:$0x1] =	wrdreg $0xFFFFFFFF  }
0xa7: {  	s28 =	simm.s32 $_size_execute0_lowered;
	s3 =	sadd.s32 s3, s5;
	[dreg:$0x0] =	wrdreg $0x0  }
0xa8: {  	s5 =	sshll.u32 s28, $0x1;
	[dreg:$0x2] =	wrdreg s3  }
0xa9: {  	[dreg:$0x3] =	wrdreg s5  }
0xaa: {  	[dreg:$0x4] =	wrdreg $0xC0  }
0xab: {  	_ =	task [dreg:s7], $0x5FFFF  }
0xac: {  	[dreg:$0x1] =	wrdreg $0xFFFFFFFF  }
0xad: {  	[dreg:$0x0] =	wrdreg $0x60  }
0xae: {  	[dreg:$0x2] =	wrdreg s24  }
0xaf: {  	[dreg:$0x3] =	wrdreg s2  }
0xb0: {  	[dreg:$0x4] =	wrdreg $0x2D500  }
0xb1: {  	[dreg:$0x5] =	wrdreg $0x9  }
0xb2: {  	_ =	task.clear_ibuf [dreg:s7], $0x6FFFF;
	_ =	strace $0x90000046  }
0xb3: {  	s29 =	simm.s32 $0x9;
	_ =	strace $0x80000048  }
0xb4: {  	_ =	swait.ge [sflag:s29], $0x1  }
0xb5: {  	[sflag:s29] =	ssyncadd.s32 $0xFFFFFFFF  }
0xb6: {  	_ =	strace $0x90000048  }
0xb7: {  	_ =	sfence  }
0xb8: {  	s30 =	sld [smem:$0x0];
	_ =	sdelay $0x2  }
0xb9: {  	s31 =	sshll.u32 s1, $0xD;
	s1 =	sshrl.u32 s1, $0x2  }
0xba: {  	s3 =	sand.u32 $0x4000, s31;
	s1 =	sadd.s32 s1, s30  }
0xbb: {  	s0 =	sor.u32 s3, s0;
	s1 =	sshll.u32 s1, $0x11  }
0xbc: {  	s0 =	sor.u32 s1, s0  }
0xbd: {  	s0 =	sadd.s32 $0x8F2B, s0  }
0xbe: {  	[sflag:s0] =	ssyncadd.remote.s32 $0x1  }
0xbf: {  	_ =	sfence.sel $0xFFFF  }
0xc0: {  	[dreg:$0x0] =	wrdreg $0xFFFFFFFF;
	(pc) =	sbr.abs _section_cstart, $3  }
0xc1: {  	[dreg:$0x1] =	wrdreg $0xFFFFFFFF  }
0xc2: {  	_ =	task.clear_ibuf [dreg:s7], $0x2FFFF;
	_ =	strace $0x9FFFFFFF  }
0xc3: {  	(tm) =	ssettm $0x7FFFFFFF  }
tec
execute0_lowered:
.L_overlay_start_1:
0x0: {  	(tag) =	ssettag $0x1  }
0x1: {  	s5 =	rddreg [dreg:$0x0]  }
0x2: {  	s7 =	rddreg [dreg:$0x1];
	s1 =	srdreg.scid  }
0x3: {  	s0 =	stileid.u32;
	s2 =	rddreg [dreg:$0x2]  }
0x4: {  	s3 =	simm.s32 $0x0;
	s6 =	sand.u32 $0x1, s1;
	s1 =	rddreg [dreg:$0x3]  }
0x5: {  	s4 =	sshll.u32 s0, $0x1;
	[smem:$0x7FF] =	sst s3;
	s8 =	smul.u32 $0x1400, s0  }
0x6: {  	s31 =	sshll.u32 s0, $0x6;
	s4 =	sor.u32 s6, s4;
	s12 =	smul.u32 $0x2800, s6  }
0x7: {  	_ =	strace $0x80000047;
	s10 =	ssub.s32 $0x2, s6;
	s4 =	smul.u32 $0x578, s4  }
0x8: {  	s13 =	sshrl.u32 s8, $0x3;
	s11 =	sshrl.u32 s10, $0x1;
	s30 =	sadd.s32 s8, s2  }
0x9: {  	s8 =	simm.s32 $0x1;
	s29 =	sadd.s32 s13, s5;
	s10 =	ssub.s32 s10, s11  }
0xa: {  	s14 =	sadd.s32 s7, s12;
	s11 =	sshrl.u32 s30, $0x3;
	s12 =	simm.s32 $0x32  }
0xb: {  	s9 =	sadd.s32 s4, s5;
	s4 =	sadd.s32 $0x18E00, s5;
	s6 =	sadd.s32 $0x16600, s29  }
0xc: {  	s7 =	smax.u32 s10, $0x1;
	s10 =	sor.u32 $0x1C01, s31;
	s13 =	sadd.s32 s13, s14  }
0xd: {  	s14 =	simm.s32 $0x0;
	s5 =	sadd.s32 $0xB700, s9;
	s9 =	simm.s32 $0x2BC0  }
.LBB2_1:
0xe: {  	[tilespmem:s3], [sflag:$0x1] =	stream.linear.gather [hbm4b:s5+s3], $0x2BC0, $0x38;
	[tilespmem:$0x4150] =	vst v63  }
0xf: {  	_ =	swait.ge [sflag:s8], $0x2BC0  }
0x10: {  	[sflag:s8] =	ssyncset.done $0x0  }
0x11: {  	[sflag:s8] =	ssyncadd.s32 $0xFFFFD440  }
0x12: {  	[tilespmem:s9], [sflag:$0x1] =	stream.linear.gather [hbm4b:s4+s3], $0x190, $0x38;
	[tilespmem:$0x4150] =	vst v63  }
0x13: {  	_ =	swait.ge [sflag:s8], $0x190  }
0x14: {  	[sflag:s8] =	ssyncset.done $0x0  }
0x15: {  	[sflag:s8] =	ssyncadd.s32 $0xFFFFFE70  }
0x16: {  	[spmem:s11], [sflag:s10] =	dma.local [hbm:s6], $0x280  }
0x17: {  	_ =	swait.ge [sflag:s8], $0x280  }
0x18: {  	[sflag:s8] =	ssyncset.done $0x0  }
0x19: {  	[sflag:s8] =	ssyncadd.s32 $0xFFFFFD80  }
0x1a: {  	s15 =	simm.s32 $0x0;
	[bflag:$0x0] =	sbarrier.arrive $0xFFFF  }
0x1b: {  	[spmem:s2] =	stream.indirect.scatter.add.f32 [tilespmem:s9], [sflag:$0x1], $0x8, s15, s12, $0xb8;
	[tilespmem:$0x4150] =	vst v63  }
0x1c: {  	_ =	swait.ge [sflag:s8], $0x190  }
0x1d: {  	s15 =	simm.s32 $0xE0;
	[sflag:s8] =	ssyncset.done $0x0  }
.LBB2_2:
0x1e: {  	s16 =	sshra.s32 s15, $0x2;
	[sflag:s8] =	ssyncadd.s32 $0xFFFFFE70;
	p0 =	sne.s32 s15, $0xAE20  }
0x1f: {  	[spmem:s2] =	stream.indirect.scatter.add.f32 [tilespmem:s9], [sflag:$0x1], $0x8, s16, s12, $0xb8;
	[tilespmem:$0x4150] =	vst v63  }
.Ltmp0:
0x20: {  	_ = 	snop;
	(pc) =	sbr.rel @p0 .LBB2_2-.Ltmp0, $4  }
0x21: {  	_ = 	snop  }
0x22: {  	s15 =	sadd.s32 $0xE0, s15  }
0x23: {  	_ =	swait.ge [sflag:s8], $0x190  }
0x24: {  	[sflag:s8] =	ssyncset.done $0x0  }
0x25: {  	s14 =	sadd.s32 $0x1, s14  }
0x26: {  	[sflag:s8] =	ssyncadd.s32 $0xFFFFFE70;
	p0 =	sne.s32 s14, s7  }
.Ltmp1:
0x27: {  	[bflag:$0x0] =	sbarrier.arrive $0xFFFF;
	(pc) =	sbr.rel @p0 .LBB2_1-.Ltmp1, $4  }
0x28: {  	[hbm:s13], [sflag:s10] =	dma.local [spmem:s11], $0x280  }
0x29: {  	_ =	swait.ge [sflag:s8], $0x280  }
0x2a: {  	[sflag:s8] =	ssyncset.done $0x0  }
0x2b: {  	[sflag:s8] =	ssyncadd.s32 $0xFFFFFD80  }
0x2c: {  	_ =	sfence.sel $0x180000  }
0x2d: {  	[bflag:$0x0] =	sbarrier.arrive $0xFFFF  }
0x2e: {  	p0 =	sne.s32 s0, $0x0;
	_ =	strace $0x90000047  }
0x2f: {  	s0 =	sadd.s32 @!p0 $0x100000, s1;
	[bflag:$0x2] =	sbarrier.arrive $0xFFFF  }
0x30: {  	[sflag:s0] =	ssyncadd.tile.s32 @!p0 $0x1;
	_ =	shalt  }
.Lfunc_end2:
_tile_overlayer_lowered:
.L_overlay_start_2:
0x31: {  	(tag) =	ssettag $0x2  }
0x32: {  	s0 =	rddreg [dreg:$0x0];
	s2 =	stileid.u32  }
0x33: {  	s1 =	rddreg [dreg:$0x1];
	p0 =	sne.s32 s2, $0x0  }
0x34: {  	s3 =	rddreg [dreg:$0x2];
	[bflag:$0x3] =	sbarrier.arrive $0xFFFF;
	s2 =	simm.s32 @!p0 $0x1C01  }
0x35: {  	[timem:s3], [sflag:s2] =	dma.local @!p0 [hbm:s0], s1  }
0x36: {  	s0 =	simm.s32 @!p0 $0x1  }
0x37: {  	_ =	swait.ge @!p0 [sflag:s0], s1  }
0x38: {  	s1 =	ssub.s32 @!p0 $0x0, s1;
	[sflag:s0] =	ssyncset.done @!p0 $0x0  }
0x39: {  	[sflag:s0] =	ssyncadd.s32 @!p0 s1  }
0x3a: {  	[bflag:$0x3] =	sbarrier.arrive $0xFFFF  }
0x3b: {  	_ =	shalt  }

</sc_bundles>
